<compile_context>
chip_gen: v7x
topology: tpu7x:2x2x1
jax: 0.10.2.dev20260603
libtpu: 0.0.44.dev20260713+nightly
codegen_flags: <defaults>
</compile_context>

<pallas_src>
import functools

import jax
import jax.numpy as jnp
from jax import lax
from jax.experimental import pallas as pl
from jax.experimental.pallas import tpu as pltpu
from jax.experimental.pallas import tpu_sc as plsc

_T = 1000
_B = 16384
_L = 16

_info = plsc.get_sparse_core_info()
_NC = _info.num_cores
_NS = _info.num_subcores
_NW = _NC * _NS
_BPW = _B // _NW
_NIT = _BPW // _L

_mesh = plsc.VectorSubcoreMesh(core_axis_name="c", subcore_axis_name="s")


@functools.partial(
    pl.kernel,
    mesh=_mesh,
    out_type=(
        jax.ShapeDtypeStruct((_B,), jnp.float32),
        jax.ShapeDtypeStruct((_B,), jnp.float32),
        jax.ShapeDtypeStruct((_B,), jnp.float32),
    ),
    compiler_params=pltpu.CompilerParams(needs_layout_passes=False),
    scratch_types=[
        pltpu.VMEM((_T,), jnp.float32),
        pltpu.VMEM((_T,), jnp.float32),
        pltpu.VMEM((_T,), jnp.float32),
        pltpu.VMEM((_BPW,), jnp.int32),
        pltpu.VMEM((_BPW,), jnp.float32),
        pltpu.VMEM((_BPW,), jnp.float32),
        pltpu.VMEM((_BPW,), jnp.float32),
        pltpu.SemaphoreType.DMA,
    ],
)
def _gather3(a_hbm, ab_hbm, abp_hbm, idx_hbm, oa_hbm, oab_hbm, oabp_hbm,
             ta, tab, tabp, idx_v, va, vab, vabp, sem):
    wid = lax.axis_index("s") * _NC + lax.axis_index("c")
    base = wid * _BPW
    copies = [
        pltpu.async_copy(a_hbm, ta, sem),
        pltpu.async_copy(ab_hbm, tab, sem),
        pltpu.async_copy(abp_hbm, tabp, sem),
        pltpu.async_copy(idx_hbm.at[pl.ds(base, _BPW)], idx_v, sem),
    ]
    for c in copies:
        c.wait()
    @plsc.parallel_loop(0, _NIT, 1, unroll=8)
    def _(i):
        sl = pl.ds(i * _L, _L)
        ids = idx_v[sl]
        va[sl] = plsc.load_gather(ta, [ids])
        vab[sl] = plsc.load_gather(tab, [ids])
        vabp[sl] = plsc.load_gather(tabp, [ids])
    stores = [
        pltpu.async_copy(va, oa_hbm.at[pl.ds(base, _BPW)], sem),
        pltpu.async_copy(vab, oab_hbm.at[pl.ds(base, _BPW)], sem),
        pltpu.async_copy(vabp, oabp_hbm.at[pl.ds(base, _BPW)], sem),
    ]
    for c in stores:
        c.wait()


@jax.jit
def kernel(alphas, alpha_bars, alpha_bars_prev, diffusion_steps):
    a, ab, abp = _gather3(alphas, alpha_bars, alpha_bars_prev,
                          diffusion_steps)
    shape = (-1, 1, 1, 1)
    return a.reshape(shape), ab.reshape(shape), abp.reshape(shape)

# --- scband reference (transcript-rebuilt; emitter-appended) ---
"""Pipeline reference for scband-noise-schedule-4509715661283 (READ-ONLY COPY).

The authoritative reference and input builder live on the scoring server;
editing this copy changes nothing except your own understanding.
"""

import jax, jax.numpy as jnp
import numpy as np

T = 1000
B = 16384

def setup_inputs(seed: int = 0) -> dict:
    key = jax.random.key(seed)
    k1, k2, k3, k4 = jax.random.split(key, 4)
    alphas = jax.random.uniform(k1, (T,), dtype=jnp.float32)
    alpha_bars = jax.random.uniform(k2, (T,), dtype=jnp.float32)
    alpha_bars_prev = jax.random.uniform(k3, (T,), dtype=jnp.float32)
    diffusion_steps = jax.random.randint(k4, (B,), 0, T, dtype=jnp.int32)
    return {
        "alphas": alphas,
        "alpha_bars": alpha_bars,
        "alpha_bars_prev": alpha_bars_prev,
        "diffusion_steps": diffusion_steps,
    }

def reference(alphas, alpha_bars, alpha_bars_prev, diffusion_steps):
    # get_alphas: self.alphas[diffusion_steps].view(-1, 1, 1, 1)
    a = jnp.take(alphas, diffusion_steps, axis=0).reshape(-1, 1, 1, 1)
    # get_alpha_bars
    ab = jnp.take(alpha_bars, diffusion_steps, axis=0).reshape(-1, 1, 1, 1)
    # get_alpha_bars_prev
    abp = jnp.take(alpha_bars_prev, diffusion_steps, axis=0).reshape(-1, 1, 1, 1)
    return (a, ab, abp)

if __name__ == "__main__":
    import jax
    _d = setup_inputs()
    print(jax.jit(kernel)(*tuple(_d.values())))

</pallas_src>

<mosaic_0001>
#map = affine_map<(d0, d1) -> (0)>
module attributes {stable_mosaic.version = 14 : i64} {
  func.func @_gather3(%arg0: i32, %arg1: i32, %arg2: memref<1000xf32, #tpu.memory_space<hbm>>, %arg3: memref<1000xf32, #tpu.memory_space<hbm>>, %arg4: memref<1000xf32, #tpu.memory_space<hbm>>, %arg5: memref<16384xi32, #tpu.memory_space<hbm>>, %arg6: memref<16384xf32, #tpu.memory_space<hbm>>, %arg7: memref<16384xf32, #tpu.memory_space<hbm>>, %arg8: memref<16384xf32, #tpu.memory_space<hbm>>, %arg9: memref<1000xf32, #tpu.memory_space<vmem>>, %arg10: memref<1000xf32, #tpu.memory_space<vmem>>, %arg11: memref<1000xf32, #tpu.memory_space<vmem>>, %arg12: memref<512xi32, #tpu.memory_space<vmem>>, %arg13: memref<512xf32, #tpu.memory_space<vmem>>, %arg14: memref<512xf32, #tpu.memory_space<vmem>>, %arg15: memref<512xf32, #tpu.memory_space<vmem>>, %arg16: memref<!tpu.dma_semaphore, #tpu.memory_space<semaphore_mem>>) attributes {dimension_semantics = [#tpu.dimension_semantics<core_parallel>, #tpu.dimension_semantics<subcore_parallel>], iteration_bounds = array<i64: 2, 16>, scalar_prefetch = 0 : i64, scratch_operands = 8 : i64, tpu.core_type = #tpu.core_type<sc_vector_subcore>, window_params = [{transform_indices = #map}, {transform_indices = #map}, {transform_indices = #map}, {transform_indices = #map}, {transform_indices = #map}, {transform_indices = #map}, {transform_indices = #map}]} {
    %mul3A = arith.constant 2 : i32
    %mul3A_0 = arith.muli %arg1, %mul3A : i32
    %add3A = arith.addi %mul3A_0, %arg0 : i32
    %mul3A_1 = arith.constant 512 : i32
    %mul3A_2 = arith.muli %add3A, %mul3A_1 : i32
    tpu.enqueue_dma source(%arg2 : memref<1000xf32, #tpu.memory_space<hbm>>) target(%arg9 : memref<1000xf32, #tpu.memory_space<vmem>>) target_semaphore(%arg16 : memref<!tpu.dma_semaphore, #tpu.memory_space<semaphore_mem>>)
    tpu.enqueue_dma source(%arg3 : memref<1000xf32, #tpu.memory_space<hbm>>) target(%arg10 : memref<1000xf32, #tpu.memory_space<vmem>>) target_semaphore(%arg16 : memref<!tpu.dma_semaphore, #tpu.memory_space<semaphore_mem>>)
    tpu.enqueue_dma source(%arg4 : memref<1000xf32, #tpu.memory_space<hbm>>) target(%arg11 : memref<1000xf32, #tpu.memory_space<vmem>>) target_semaphore(%arg16 : memref<!tpu.dma_semaphore, #tpu.memory_space<semaphore_mem>>)
    %dma_start3A = tpu.memref_slice %arg5[%mul3A_2] : memref<16384xi32, #tpu.memory_space<hbm>> -> memref<512xi32, #tpu.memory_space<hbm>>
    %dma_start3A_3 = tpu.memref_slice %arg5[%mul3A_2] : memref<16384xi32, #tpu.memory_space<hbm>> -> memref<512xi32, #tpu.memory_space<hbm>>
    tpu.enqueue_dma source(%dma_start3A_3 : memref<512xi32, #tpu.memory_space<hbm>>) target(%arg12 : memref<512xi32, #tpu.memory_space<vmem>>) target_semaphore(%arg16 : memref<!tpu.dma_semaphore, #tpu.memory_space<semaphore_mem>>)
    tpu.wait_dma2 semaphore(%arg16 : memref<!tpu.dma_semaphore, #tpu.memory_space<semaphore_mem>>) src(%arg2 : memref<1000xf32, #tpu.memory_space<hbm>>) dst(%arg9 : memref<1000xf32, #tpu.memory_space<vmem>>)
    tpu.wait_dma2 semaphore(%arg16 : memref<!tpu.dma_semaphore, #tpu.memory_space<semaphore_mem>>) src(%arg3 : memref<1000xf32, #tpu.memory_space<hbm>>) dst(%arg10 : memref<1000xf32, #tpu.memory_space<vmem>>)
    tpu.wait_dma2 semaphore(%arg16 : memref<!tpu.dma_semaphore, #tpu.memory_space<semaphore_mem>>) src(%arg4 : memref<1000xf32, #tpu.memory_space<hbm>>) dst(%arg11 : memref<1000xf32, #tpu.memory_space<vmem>>)
    %dma_wait3A = tpu.memref_slice %arg5[%mul3A_2] : memref<16384xi32, #tpu.memory_space<hbm>> -> memref<512xi32, #tpu.memory_space<hbm>>
    %dma_wait3A_4 = tpu.memref_slice %arg5[%mul3A_2] : memref<16384xi32, #tpu.memory_space<hbm>> -> memref<512xi32, #tpu.memory_space<hbm>>
    tpu.wait_dma2 semaphore(%arg16 : memref<!tpu.dma_semaphore, #tpu.memory_space<semaphore_mem>>) src(%dma_wait3A_4 : memref<512xi32, #tpu.memory_space<hbm>>) dst(%arg12 : memref<512xi32, #tpu.memory_space<vmem>>)
    %parallel_loop3A = arith.constant 0 : i32
    %parallel_loop3A_5 = arith.constant 32 : i32
    %parallel_loop3A_6 = arith.constant 1 : i32
    scf.for %parallel_loop3A_19 = %parallel_loop3A to %parallel_loop3A_5 step %parallel_loop3A_6  : i32 {
      %parallel_loop3A_20 = arith.constant 16 : i32
      %parallel_loop3A_21 = arith.muli %parallel_loop3A_19, %parallel_loop3A_20 : i32
      %parallel_loop3A_22 = arith.index_cast %parallel_loop3A_21 : i32 to index
      %parallel_loop3A_23 = tpu.vector_load %arg12[%parallel_loop3A_22] {strides = array<i32>} : memref<512xi32, #tpu.memory_space<vmem>>, vector<16xi32>,
      %parallel_loop3A_24 = tpu.vector_load_idx %arg9[%parallel_loop3A_23] : memref<1000xf32, #tpu.memory_space<vmem>>[vector<16xi32>], vector<16xf32>,
      %parallel_loop3A_25 = arith.index_cast %parallel_loop3A_21 : i32 to index
      %parallel_loop3A_26 = tpu.vector_load %arg13[%parallel_loop3A_25] {strides = array<i32>} : memref<512xf32, #tpu.memory_space<vmem>>, vector<16xf32>,
      tpu.vector_store %arg13[%parallel_loop3A_25], %parallel_loop3A_24 {strides = array<i32>} : memref<512xf32, #tpu.memory_space<vmem>>, vector<16xf32>,
      %parallel_loop3A_27 = tpu.vector_load_idx %arg10[%parallel_loop3A_23] : memref<1000xf32, #tpu.memory_space<vmem>>[vector<16xi32>], vector<16xf32>,
      %parallel_loop3A_28 = arith.index_cast %parallel_loop3A_21 : i32 to index
      %parallel_loop3A_29 = tpu.vector_load %arg14[%parallel_loop3A_28] {strides = array<i32>} : memref<512xf32, #tpu.memory_space<vmem>>, vector<16xf32>,
      tpu.vector_store %arg14[%parallel_loop3A_28], %parallel_loop3A_27 {strides = array<i32>} : memref<512xf32, #tpu.memory_space<vmem>>, vector<16xf32>,
      %parallel_loop3A_30 = tpu.vector_load_idx %arg11[%parallel_loop3A_23] : memref<1000xf32, #tpu.memory_space<vmem>>[vector<16xi32>], vector<16xf32>,
      %parallel_loop3A_31 = arith.index_cast %parallel_loop3A_21 : i32 to index
      %parallel_loop3A_32 = tpu.vector_load %arg15[%parallel_loop3A_31] {strides = array<i32>} : memref<512xf32, #tpu.memory_space<vmem>>, vector<16xf32>,
      tpu.vector_store %arg15[%parallel_loop3A_31], %parallel_loop3A_30 {strides = array<i32>} : memref<512xf32, #tpu.memory_space<vmem>>, vector<16xf32>,
    } {sc.loop_unroll_factor = 8 : i64, sc.parallel_access}
    %dma_start3A_7 = tpu.memref_slice %arg6[%mul3A_2] : memref<16384xf32, #tpu.memory_space<hbm>> -> memref<512xf32, #tpu.memory_space<hbm>>
    %dma_start3A_8 = tpu.memref_slice %arg6[%mul3A_2] : memref<16384xf32, #tpu.memory_space<hbm>> -> memref<512xf32, #tpu.memory_space<hbm>>
    tpu.enqueue_dma source(%arg13 : memref<512xf32, #tpu.memory_space<vmem>>) target(%dma_start3A_8 : memref<512xf32, #tpu.memory_space<hbm>>) target_semaphore(%arg16 : memref<!tpu.dma_semaphore, #tpu.memory_space<semaphore_mem>>)
    %dma_start3A_9 = tpu.memref_slice %arg7[%mul3A_2] : memref<16384xf32, #tpu.memory_space<hbm>> -> memref<512xf32, #tpu.memory_space<hbm>>
    %dma_start3A_10 = tpu.memref_slice %arg7[%mul3A_2] : memref<16384xf32, #tpu.memory_space<hbm>> -> memref<512xf32, #tpu.memory_space<hbm>>
    tpu.enqueue_dma source(%arg14 : memref<512xf32, #tpu.memory_space<vmem>>) target(%dma_start3A_10 : memref<512xf32, #tpu.memory_space<hbm>>) target_semaphore(%arg16 : memref<!tpu.dma_semaphore, #tpu.memory_space<semaphore_mem>>)
    %dma_start3A_11 = tpu.memref_slice %arg8[%mul3A_2] : memref<16384xf32, #tpu.memory_space<hbm>> -> memref<512xf32, #tpu.memory_space<hbm>>
    %dma_start3A_12 = tpu.memref_slice %arg8[%mul3A_2] : memref<16384xf32, #tpu.memory_space<hbm>> -> memref<512xf32, #tpu.memory_space<hbm>>
    tpu.enqueue_dma source(%arg15 : memref<512xf32, #tpu.memory_space<vmem>>) target(%dma_start3A_12 : memref<512xf32, #tpu.memory_space<hbm>>) target_semaphore(%arg16 : memref<!tpu.dma_semaphore, #tpu.memory_space<semaphore_mem>>)
    %dma_wait3A_13 = tpu.memref_slice %arg6[%mul3A_2] : memref<16384xf32, #tpu.memory_space<hbm>> -> memref<512xf32, #tpu.memory_space<hbm>>
    %dma_wait3A_14 = tpu.memref_slice %arg6[%mul3A_2] : memref<16384xf32, #tpu.memory_space<hbm>> -> memref<512xf32, #tpu.memory_space<hbm>>
    tpu.wait_dma2 semaphore(%arg16 : memref<!tpu.dma_semaphore, #tpu.memory_space<semaphore_mem>>) src(%arg13 : memref<512xf32, #tpu.memory_space<vmem>>) dst(%dma_wait3A_14 : memref<512xf32, #tpu.memory_space<hbm>>)
    %dma_wait3A_15 = tpu.memref_slice %arg7[%mul3A_2] : memref<16384xf32, #tpu.memory_space<hbm>> -> memref<512xf32, #tpu.memory_space<hbm>>
    %dma_wait3A_16 = tpu.memref_slice %arg7[%mul3A_2] : memref<16384xf32, #tpu.memory_space<hbm>> -> memref<512xf32, #tpu.memory_space<hbm>>
    tpu.wait_dma2 semaphore(%arg16 : memref<!tpu.dma_semaphore, #tpu.memory_space<semaphore_mem>>) src(%arg14 : memref<512xf32, #tpu.memory_space<vmem>>) dst(%dma_wait3A_16 : memref<512xf32, #tpu.memory_space<hbm>>)
    %dma_wait3A_17 = tpu.memref_slice %arg8[%mul3A_2] : memref<16384xf32, #tpu.memory_space<hbm>> -> memref<512xf32, #tpu.memory_space<hbm>>
    %dma_wait3A_18 = tpu.memref_slice %arg8[%mul3A_2] : memref<16384xf32, #tpu.memory_space<hbm>> -> memref<512xf32, #tpu.memory_space<hbm>>
    tpu.wait_dma2 semaphore(%arg16 : memref<!tpu.dma_semaphore, #tpu.memory_space<semaphore_mem>>) src(%arg15 : memref<512xf32, #tpu.memory_space<vmem>>) dst(%dma_wait3A_18 : memref<512xf32, #tpu.memory_space<hbm>>)
    return
  }
}

</mosaic_0001>

<sc_bundles>
// kernel: kernel.3.cloned.1.call-start
scs
__scs_entry_jumppad:
0x0: {  	(pc) =	sbr.rel $0x88, $3  }
0x1: {  	(tag) =	ssettag $0x0;
	lr =	simm.s32 $0x1  }
0x2: {  	[smem:$0x3F9D] =	sst lr;
	_ =	strace $0xD0000000  }
0x3: {  	_ = 	snop  }
0x4: {  	_ = 	snop  }
0x5: {  	_ = 	snop  }
0x6: {  	_ = 	snop  }
0x7: {  	_ = 	snop  }
__scs_overlays_trampoline_lowered:
0x8: {  	[smem:$0x3FAC] =	sst s0  }
0x9: {  	[smem:$0x3FAD] =	sst s1  }
0xa: {  	[smem:$0x3FAE] =	sst s2  }
0xb: {  	[smem:$0x3FAF] =	sst s3  }
0xc: {  	[smem:$0x3FB0] =	sst s4  }
0xd: {  	[smem:$0x3FB1] =	sst s5  }
0xe: {  	[smem:$0x3FB2] =	sst s6  }
0xf: {  	[smem:$0x3FB3] =	sst s7  }
0x10: {  	[smem:$0x3FB4] =	sst s8  }
0x11: {  	[smem:$0x3FB5] =	sst s9;
	s0 =	simm.s32 @!p0 $0x0  }
0x12: {  	s1 =	sld [smem:$0x3F9B];
	s0 =	simm.s32 @p0 $0x1  }
0x13: {  	[smem:$0x3FB6] =	sst s0;
	s0 =	simm.s32 @!p1 $0x0  }
0x14: {  	s2 =	sld [smem:$0x3F9A];
	s0 =	simm.s32 @p1 $0x1  }
0x15: {  	[smem:$0x3FB7] =	sst s0;
	s0 =	simm.s32 @!p2 $0x0  }
0x16: {  	s3 =	sld [smem:$0x3FDB];
	s0 =	simm.s32 @p2 $0x1  }
0x17: {  	s4 =	simm.s32 $0x1BF5;
	[smem:$0x3FB9] =	sst s0  }
0x18: {  	s0 =	sld [smem:$0x3F9C];
	_ =	swait.ge [sflag:s4], $0x0  }
0x19: {  	s7 =	sld [smem:$0x3F9D]  }
0x1a: {  	s8 =	sadd.s32 $0xFFFFE003, lr  }
0x1b: {  	s9 =	sadd.s32 $0xFFFFFEF7, lr;
	s5 =	simm.s32 $0xFFFFFFFF;
	p2 =	slt.u32 s8, $0xFFFFF086  }
0x1c: {  	p1 =	slt.u32 s9, $0xF7A;
	s5 =	simm.s32 @!p2 $0x0  }
0x1d: {  	s5 =	simm.s32 @p1 $0x1;
	p0 =	seq.s32 s7, s2  }
0x1e: {  	s7 =	smul.u32 @!p0 $0xF7A, s2;
	p2 =	seq.s32 @!p0 s5, $0x0  }
0x1f: {  	s9 =	smul.u32 $0xF7A, s1;
	s8 =	simm.s32 @!p0 $0x1BF5;
	p2 =	por !p2, p0  }
0x20: {  	[sflag:s8] =	ssyncset.s32 @!p0 $0xFFFFF086;
	s6 =	sadd.s32 @!p0 s3, s7;
	s7 =	simm.s32 @!p0 $0x108  }
0x21: {  	s3 =	sadd.s32 s3, s9;
	s6 =	sadd.s32 @!p0 $0x88, s6;
	s7 =	simm.s32 @p2 $0x1082  }
0x22: {  	[simem:s7], [sflag:s8] =	dma.local @!p0 [hbm:s6], $0xF7A  }
0x23: {  	s9 =	sor.u32 $0xD0000000, s2;
	s6 =	simm.s32 $0x108;
	_ =	swait.ge @!p0 [sflag:s8], $0x0  }
0x24: {  	s3 =	sadd.s32 $0x88, s3;
	s6 =	simm.s32 @!p1 $0x1082;
	[sflag:s4] =	ssyncset.s32 $0xFFFFF086  }
0x25: {  	[simem:s6], [sflag:s4] =	dma.local [hbm:s3], $0xF7A  }
0x26: {  	[smem:$0x3F9D] =	sst s1;
	(tag) =	ssettag s2;
	_ =	strace s9  }
0x27: {  	s1 =	sld [smem:$0x3FAD]  }
0x28: {  	s2 =	sld [smem:$0x3FAE]  }
0x29: {  	s4 =	sld [smem:$0x3FB0]  }
0x2a: {  	p0 =	seq.s32 s5, $0x0;
	s5 =	sld [smem:$0x3FB1]  }
0x2b: {  	s6 =	sld [smem:$0x3FB2]  }
0x2c: {  	s7 =	sld [smem:$0x3FB3]  }
0x2d: {  	s3 =	simm.s32 $0x108;
	s8 =	sld [smem:$0x3FB4]  }
0x2e: {  	s3 =	simm.s32 @!p0 $0x1082;
	s9 =	sld [smem:$0x3FB5]  }
0x2f: {  	lr =	sadd.s32 s0, s3;
	s0 =	sld [smem:$0x3FAC]  }
0x30: {  	s3 =	sld [smem:$0x3FAF]  }
0x31: {  	[smem:$0x3FB8] =	sst s10  }
0x32: {  	s10 =	sld [smem:$0x3FB6];
	_ =	sdelay $0x3  }
0x33: {  	p0 =	seq.s32 s10, $0x1;
	s10 =	sld [smem:$0x3FB8];
	_ =	sdelay $0x3  }
0x34: {  	[smem:$0x3FB8] =	sst s10  }
0x35: {  	s10 =	sld [smem:$0x3FB7];
	_ =	sdelay $0x3  }
0x36: {  	p1 =	seq.s32 s10, $0x1;
	s10 =	sld [smem:$0x3FB8];
	_ =	sdelay $0x3  }
0x37: {  	[smem:$0x3FB8] =	sst s10  }
0x38: {  	s10 =	sld [smem:$0x3FB9]  }
0x39: {  	_ = 	snop;
	(pc) =	sbr.ind lr, $3  }
0x3a: {  	_ = 	snop  }
0x3b: {  	_ = 	snop  }
0x3c: {  	p2 =	seq.s32 s10, $0x1;
	s10 =	sld [smem:$0x3FB8]  }
0x3d: {  	_ =	shalt  }
0x3e: {  	_ =	shalt  }
0x3f: {  	_ =	shalt  }
0x40: {  	_ =	shalt  }
0x41: {  	_ =	shalt  }
0x42: {  	_ =	shalt  }
0x43: {  	_ =	shalt  }
0x44: {  	_ =	shalt  }
0x45: {  	_ =	shalt  }
0x46: {  	_ =	shalt  }
0x47: {  	_ =	shalt  }
0x48: {  	_ =	shalt  }
0x49: {  	_ =	shalt  }
0x4a: {  	_ =	shalt  }
0x4b: {  	_ =	shalt  }
0x4c: {  	_ =	shalt  }
0x4d: {  	_ =	shalt  }
0x4e: {  	_ =	shalt  }
0x4f: {  	_ =	shalt  }
0x50: {  	_ =	shalt  }
0x51: {  	_ =	shalt  }
0x52: {  	_ =	shalt  }
0x53: {  	_ =	shalt  }
0x54: {  	_ =	shalt  }
0x55: {  	_ =	shalt  }
0x56: {  	_ =	shalt  }
0x57: {  	_ =	shalt  }
0x58: {  	_ =	shalt  }
0x59: {  	_ =	shalt  }
0x5a: {  	_ =	shalt  }
0x5b: {  	_ =	shalt  }
0x5c: {  	_ =	shalt  }
0x5d: {  	_ =	shalt  }
0x5e: {  	_ =	shalt  }
0x5f: {  	_ =	shalt  }
0x60: {  	_ =	shalt  }
0x61: {  	_ =	shalt  }
0x62: {  	_ =	shalt  }
0x63: {  	_ =	shalt  }
0x64: {  	_ =	shalt  }
0x65: {  	_ =	shalt  }
0x66: {  	_ =	shalt  }
0x67: {  	_ =	shalt  }
0x68: {  	_ =	shalt  }
0x69: {  	_ =	shalt  }
0x6a: {  	_ =	shalt  }
0x6b: {  	_ =	shalt  }
0x6c: {  	_ =	shalt  }
0x6d: {  	_ =	shalt  }
0x6e: {  	_ =	shalt  }
0x6f: {  	_ =	shalt  }
0x70: {  	_ =	shalt  }
0x71: {  	_ =	shalt  }
0x72: {  	_ =	shalt  }
0x73: {  	_ =	shalt  }
0x74: {  	_ =	shalt  }
0x75: {  	_ =	shalt  }
0x76: {  	_ =	shalt  }
0x77: {  	_ =	shalt  }
0x78: {  	_ =	shalt  }
0x79: {  	_ =	shalt  }
0x7a: {  	_ =	shalt  }
0x7b: {  	_ =	shalt  }
0x7c: {  	_ =	shalt  }
0x7d: {  	_ =	shalt  }
0x7e: {  	_ =	shalt  }
0x7f: {  	_ =	shalt  }
0x80: {  	_ =	shalt  }
0x81: {  	_ =	shalt  }
0x82: {  	_ =	shalt  }
0x83: {  	_ =	shalt  }
0x84: {  	_ =	shalt  }
0x85: {  	_ =	shalt  }
0x86: {  	_ =	shalt  }
0x87: {  	_ =	shalt  }
.Lfunc_end0:
.L_simem_size_0:
called_computation_lowered:
.L_overlay_start_0:
0x88: {  	s2 =	sld [smem:$0x3FD9]  }
0x89: {  	s3 =	sld [smem:$0x3FFE];
	_ =	sdelay $0x1  }
0x8a: {  	s1 =	srdreg.scid  }
0x8b: {  	s0 =	sand.u32 $0x1, s1  }
0x8c: {  	s15 =	sshll.u32 s0, $0xA;
	s2 =	sadd.s32 s3, s2  }
0x8d: {  	s2 =	sadd.s32 s2, s15  }
0x8e: {  	[smem:$0x3FC4] =	sst s2  }
0x8f: {  	_ = 	snop  }
0x90: {  	s2 =	sld [smem:$0x3FC9]  }
0x91: {  	s16 =	sld [smem:$0x3FD0]  }
0x92: {  	s4 =	sld [smem:$0x3FC8]  }
0x93: {  	s5 =	sld [smem:$0x3FC7]  }
0x94: {  	s7 =	simm.s32 $0xA;
	s8 =	simm.s32 $0x10;
	s6 =	sld [smem:$0x3FC6]  }
0x95: {  	[smem:s8], [sflag:s7] =	dma.local [hbm:s16], $0x1  }
0x96: {  	_ =	swait.eq [sflag:s7], $0x1  }
0x97: {  	s17 =	sld [smem:$0x10];
	[sflag:s7] =	ssyncset.done $0x0  }
0x98: {  	s18 =	sld [smem:$0x11];
	[sflag:s7] =	ssyncadd.s32 $0xFFFFFFFF  }
0x99: {  	s19 =	sld [smem:$0x12];
	(tm) =	ssettm $0x1  }
0x9a: {  	s9 =	sld [smem:$0x3FFB];
	_ =	sdelay $0x3  }
0x9b: {  	_ =	strace s9  }
0x9c: {  	s9 =	sld [smem:$0x3FFC];
	_ =	sdelay $0x3  }
0x9d: {  	_ =	strace s9  }
0x9e: {  	s9 =	sld [smem:$0x3FFD];
	_ =	sdelay $0x3  }
0x9f: {  	_ =	strace s9  }
0xa0: {  	_ =	strace $0x8FFFFFFF  }
0xa1: {  	s20 =	sld [smem:$0x3FDB];
	_ =	sdelay $0x1  }
0xa2: {  	s10 =	simm.s32 $_scs_section_size  }
0xa3: {  	s11 =	simm.s32 $_size__tile_overlayer_lowered;
	s12 =	simm.s32 $_tile_overlayer_lowered  }
0xa4: {  	s23 =	simm.s32 $0x1BFF;
	s22 =	sshll.u32 s12, $0x1;
	s9 =	sadd.s32 s10, s20  }
0xa5: {  	s13 =	simm.s32 $0x0;
	s21 =	sshll.u32 s11, $0x1;
	s11 =	sadd.s32 s22, s9  }
0xa6: {  	[timem:s13], [sflag:s23] =	dma.local [hbm:s11], s21  }
0xa7: {  	_ =	swait.ge [sflag:s23], s21  }
0xa8: {  	s10 =	ssub.s32 $0x0, s21;
	[sflag:s23] =	ssyncset.done $0x0  }
0xa9: {  	[sflag:s23] =	ssyncadd.s32 s10;
	_ =	sdelay $0x1  }
0xaa: {  	s24 =	simm.s32 $0x1B8B  }
0xab: {  	_ =	swait.ge [sflag:s24], $0x1  }
0xac: {  	[sflag:s24] =	ssyncset.done $0x0  }
0xad: {  	s25 =	simm.s32 $0x1B8E;
	[sflag:s24] =	ssyncadd.s32 $0xFFFFFFFF  }
0xae: {  	s26 =	simm.s32 $execute0_lowered;
	[smem:$0x3FD2] =	sst s25  }
0xaf: {  	s10 =	sshll.u32 s26, $0x1;
	_ =	strace $0x80000046;
	[dreg:$0x1] =	wrdreg $0xFFFFFFFF  }
0xb0: {  	s28 =	simm.s32 $_size_execute0_lowered;
	s9 =	sadd.s32 s9, s10;
	[dreg:$0x0] =	wrdreg $0x0  }
0xb1: {  	s10 =	sshll.u32 s28, $0x1;
	[dreg:$0x2] =	wrdreg s9  }
0xb2: {  	[dreg:$0x3] =	wrdreg s10  }
0xb3: {  	[dreg:$0x4] =	wrdreg $0xC0  }
0xb4: {  	_ =	task [dreg:s13], $0x5FFFF  }
0xb5: {  	[dreg:$0x1] =	wrdreg $0xFFFFFFFF  }
0xb6: {  	[dreg:$0x0] =	wrdreg $0x60  }
0xb7: {  	[dreg:$0x2] =	wrdreg s2  }
0xb8: {  	[dreg:$0x3] =	wrdreg s4  }
0xb9: {  	[dreg:$0x4] =	wrdreg s5  }
0xba: {  	[dreg:$0x5] =	wrdreg s6  }
0xbb: {  	[dreg:$0x6] =	wrdreg s17  }
0xbc: {  	[dreg:$0x7] =	wrdreg s18  }
0xbd: {  	[dreg:$0x8] =	wrdreg s19  }
0xbe: {  	[dreg:$0x9] =	wrdreg $0x9  }
0xbf: {  	_ =	task.clear_ibuf [dreg:s13], $0xAFFFF;
	_ =	strace $0x90000046  }
0xc0: {  	s29 =	simm.s32 $0x9;
	_ =	strace $0x80000048  }
0xc1: {  	_ =	swait.ge [sflag:s29], $0x1  }
0xc2: {  	[sflag:s29] =	ssyncadd.s32 $0xFFFFFFFF  }
0xc3: {  	_ =	strace $0x90000048  }
0xc4: {  	_ =	sfence  }
0xc5: {  	s30 =	sld [smem:$0x0];
	_ =	sdelay $0x2  }
0xc6: {  	s31 =	sshll.u32 s1, $0xD;
	s1 =	sshrl.u32 s1, $0x2  }
0xc7: {  	s3 =	sand.u32 $0x4000, s31;
	s1 =	sadd.s32 s1, s30  }
0xc8: {  	s0 =	sor.u32 s3, s0;
	s1 =	sshll.u32 s1, $0x11  }
0xc9: {  	s0 =	sor.u32 s1, s0  }
0xca: {  	s0 =	sadd.s32 $0x8F2B, s0  }
0xcb: {  	[sflag:s0] =	ssyncadd.remote.s32 $0x1  }
0xcc: {  	_ =	sfence.sel $0xFFFF  }
0xcd: {  	[dreg:$0x0] =	wrdreg $0xFFFFFFFF;
	(pc) =	sbr.abs _section_cstart, $3  }
0xce: {  	[dreg:$0x1] =	wrdreg $0xFFFFFFFF  }
0xcf: {  	_ =	task.clear_ibuf [dreg:s13], $0x2FFFF;
	_ =	strace $0x9FFFFFFF  }
0xd0: {  	(tm) =	ssettm $0x7FFFFFFF  }
0xd1: {  	_ =	shalt  }
tec
execute0_lowered:
.L_overlay_start_1:
0x0: {  	(tag) =	ssettag $0x1  }
0x1: {  	s0 =	rddreg [dreg:$0x0]  }
0x2: {  	s2 =	rddreg [dreg:$0x1]  }
0x3: {  	s3 =	rddreg [dreg:$0x2]  }
0x4: {  	s6 =	rddreg [dreg:$0x3]  }
0x5: {  	s7 =	rddreg [dreg:$0x4]  }
0x6: {  	s8 =	rddreg [dreg:$0x5]  }
0x7: {  	s9 =	rddreg [dreg:$0x6]  }
0x8: {  	s1 =	rddreg [dreg:$0x7];
	s10 =	srdreg.scid  }
0x9: {  	s5 =	simm.s32 $0x0;
	s4 =	stileid.u32;
	s14 =	simm.s32 $0x1  }
0xa: {  	s15 =	simm.s32 $0xE00;
	s16 =	simm.s32 $0x1000;
	s17 =	simm.s32 $0x1200  }
0xb: {  	s18 =	simm.s32 $0x0;
	s10 =	sand.u32 $0x1, s10;
	s12 =	sshll.u32 s4, $0x7  }
0xc: {  	[smem:$0x7FF] =	sst s5;
	s11 =	ssub.s32 $0x2, s10;
	s10 =	sshll.u32 s10, $0x6  }
0xd: {  	_ =	strace $0x80000047;
	s13 =	sshrl.u32 s11, $0x1;
	s10 =	sor.u32 s10, s12  }
0xe: {  	s12 =	simm.s32 $0x800;
	s11 =	ssub.s32 s11, s13;
	s6 =	sadd.s32 s6, s10  }
0xf: {  	s7 =	sadd.s32 s7, s10;
	s8 =	sadd.s32 s8, s10;
	s9 =	sadd.s32 s9, s10  }
0x10: {  	s13 =	simm.s32 $0xC00;
	s10 =	smax.u32 s11, $0x1;
	s11 =	simm.s32 $0x400  }
.LBB2_1:
0x11: {  	[tilespmem:s5], [sflag:$0x1] =	stream.linear.gather [hbm4b:s0+s5], $0x400, $0x38;
	[tilespmem:$0x1400] =	vst v63  }
0x12: {  	_ = 	snop  }
0x13: {  	[tilespmem:s11], [sflag:$0x1] =	stream.linear.gather [hbm4b:s2+s5], $0x400, $0x38;
	[tilespmem:$0x1400] =	vst v63  }
0x14: {  	_ = 	snop  }
0x15: {  	[tilespmem:s12], [sflag:$0x1] =	stream.linear.gather [hbm4b:s3+s5], $0x400, $0x38;
	[tilespmem:$0x1400] =	vst v63  }
0x16: {  	_ = 	snop  }
0x17: {  	[tilespmem:s13], [sflag:$0x1] =	stream.linear.gather [hbm4b:s6+s5], $0x200, $0x38;
	[tilespmem:$0x1400] =	vst v63  }
0x18: {  	_ =	swait.ge [sflag:s14], $0x400  }
0x19: {  	[sflag:s14] =	ssyncset.done $0x0  }
0x1a: {  	[sflag:s14] =	ssyncadd.s32 $0xFFFFFC00  }
0x1b: {  	_ =	swait.ge [sflag:s14], $0x400  }
0x1c: {  	[sflag:s14] =	ssyncset.done $0x0  }
0x1d: {  	[sflag:s14] =	ssyncadd.s32 $0xFFFFFC00  }
0x1e: {  	_ =	swait.ge [sflag:s14], $0x400  }
0x1f: {  	[sflag:s14] =	ssyncset.done $0x0  }
0x20: {  	[sflag:s14] =	ssyncadd.s32 $0xFFFFFC00  }
0x21: {  	_ =	swait.ge [sflag:s14], $0x200  }
0x22: {  	[sflag:s14] =	ssyncset.done $0x0  }
0x23: {  	s19 =	simm.s32 $0xC40;
	[sflag:s14] =	ssyncadd.s32 $0xFFFFFE00  }
0x24: {  	v0 =	vld [tilespmem:s19+$0x30]  }
0x25: {  	v1 =	vld [tilespmem:s19+$0xFFFFFFD0]  }
0x26: {  	v2 =	vld [tilespmem:s19+$0xFFFFFFE0]  }
0x27: {  	v3 =	vld [tilespmem:s19+$0xFFFFFFF0]  }
0x28: {  	v4 =	vld [tilespmem:s19+$0x0]  }
0x29: {  	v5 =	vld [tilespmem:s19+$0x10]  }
0x2a: {  	v6 =	vld [tilespmem:s19+$0x20]  }
0x2b: {  	v7 =	vld [tilespmem:s19+$0xFFFFFFC0]  }
0x2c: {  	v8 =	vld.idx.msk [tilespmem:v0+s5+$0x0], $0xffff  }
0x2d: {  	v9 =	vld.idx.msk [tilespmem:v1+s5+$0x0], $0xffff  }
0x2e: {  	v10 =	vld.idx.msk [tilespmem:v2+s5+$0x0], $0xffff  }
0x2f: {  	v11 =	vld.idx.msk [tilespmem:v3+s5+$0x0], $0xffff  }
0x30: {  	v12 =	vld.idx.msk [tilespmem:v4+s5+$0x0], $0xffff  }
0x31: {  	s19 =	simm.s32 $0xE40;
	v13 =	vld.idx.msk [tilespmem:v5+s5+$0x0], $0xffff  }
0x32: {  	v14 =	vld.idx.msk [tilespmem:v6+s5+$0x0], $0xffff;
	[tilespmem:s19+$0x30] =	vst v8  }
0x33: {  	v56 =	vld.idx.msk [tilespmem:v7+s5+$0x0], $0xffff;
	[tilespmem:s19+$0xFFFFFFD0] =	vst v9  }
0x34: {  	[tilespmem:s19+$0xFFFFFFE0] =	vst v10;
	v8 =	vld.idx.msk [tilespmem:v0+s11+$0x0], $0xffff  }
0x35: {  	[tilespmem:s19+$0xFFFFFFF0] =	vst v11;
	v57 =	vld.idx.msk [tilespmem:v1+s11+$0x0], $0xffff  }
0x36: {  	[tilespmem:s19+$0x0] =	vst v12;
	v58 =	vld.idx.msk [tilespmem:v2+s11+$0x0], $0xffff  }
0x37: {  	[tilespmem:s19+$0x10] =	vst v13;
	v59 =	vld.idx.msk [tilespmem:v3+s11+$0x0], $0xffff  }
0x38: {  	[tilespmem:s19+$0x20] =	vst v14;
	v60 =	vld.idx.msk [tilespmem:v4+s11+$0x0], $0xffff  }
0x39: {  	s20 =	simm.s32 $0x1040;
	[tilespmem:s19+$0xFFFFFFC0] =	vst v56;
	v61 =	vld.idx.msk [tilespmem:v5+s11+$0x0], $0xffff  }
0x3a: {  	v9 =	vld.idx.msk [tilespmem:v7+s11+$0x0], $0xffff;
	[tilespmem:s20+$0x30] =	vst v8  }
0x3b: {  	v62 =	vld.idx.msk [tilespmem:v6+s11+$0x0], $0xffff;
	[tilespmem:s20+$0xFFFFFFD0] =	vst v57  }
0x3c: {  	[tilespmem:s20+$0xFFFFFFE0] =	vst v58;
	v8 =	vld.idx.msk [tilespmem:v0+s12+$0x0], $0xffff  }
0x3d: {  	[tilespmem:s20+$0xFFFFFFF0] =	vst v59;
	v63 =	vld.idx.msk [tilespmem:v1+s12+$0x0], $0xffff  }
0x3e: {  	[tilespmem:s20+$0x0] =	vst v60;
	v0 =	vld.idx.msk [tilespmem:v2+s12+$0x0], $0xffff  }
0x3f: {  	[tilespmem:s20+$0x10] =	vst v61;
	v1 =	vld.idx.msk [tilespmem:v3+s12+$0x0], $0xffff  }
0x40: {  	[tilespmem:s20+$0xFFFFFFC0] =	vst v9;
	v2 =	vld.idx.msk [tilespmem:v4+s12+$0x0], $0xffff  }
0x41: {  	s21 =	simm.s32 $0x1240;
	[tilespmem:s20+$0x20] =	vst v62;
	v4 =	vld.idx.msk [tilespmem:v5+s12+$0x0], $0xffff  }
0x42: {  	v3 =	vld.idx.msk [tilespmem:v7+s12+$0x0], $0xffff;
	[tilespmem:s21+$0x30] =	vst v8  }
0x43: {  	s22 =	simm.s32 $0x0;
	s23 =	simm.s32 $0xCC0;
	v5 =	vld.idx.msk [tilespmem:v6+s12+$0x0], $0xffff;
	[tilespmem:s21+$0xFFFFFFD0] =	vst v63  }
.LBB2_2:
0x44: {  	v6 =	vld [tilespmem:s23+$0x30];
	s22 =	sadd.s32 $0x8, s22;
	[tilespmem:s21+$0xFFFFFFE0] =	vst v0  }
0x45: {  	v0 =	vld [tilespmem:s23+$0xFFFFFFD0];
	p0 =	slt.u32 s22, $0x18;
	[tilespmem:s21+$0xFFFFFFF0] =	vst v1  }
0x46: {  	v1 =	vld [tilespmem:s23+$0xFFFFFFE0];
	[tilespmem:s21+$0x0] =	vst v2  }
0x47: {  	v2 =	vld [tilespmem:s23+$0xFFFFFFF0];
	[tilespmem:s21+$0x10] =	vst v4  }
0x48: {  	v4 =	vld [tilespmem:s23+$0x0];
	[tilespmem:s21+$0xFFFFFFC0] =	vst v3  }
0x49: {  	v3 =	vld [tilespmem:s23+$0x10];
	[tilespmem:s21+$0x20] =	vst v5  }
0x4a: {  	v5 =	vld [tilespmem:s23+$0x20]  }
0x4b: {  	v7 =	vld [tilespmem:s23+$0xFFFFFFC0]  }
0x4c: {  	v8 =	vld.idx.msk [tilespmem:v6+s5+$0x0], $0xffff  }
0x4d: {  	v9 =	vld.idx.msk [tilespmem:v0+s5+$0x0], $0xffff  }
0x4e: {  	v10 =	vld.idx.msk [tilespmem:v1+s5+$0x0], $0xffff  }
0x4f: {  	v11 =	vld.idx.msk [tilespmem:v2+s5+$0x0], $0xffff  }
0x50: {  	v12 =	vld.idx.msk [tilespmem:v4+s5+$0x0], $0xffff  }
0x51: {  	s19 =	sadd.s32 $0x80, s19;
	v13 =	vld.idx.msk [tilespmem:v3+s5+$0x0], $0xffff  }
0x52: {  	v14 =	vld.idx.msk [tilespmem:v5+s5+$0x0], $0xffff;
	[tilespmem:s19+$0x30] =	vst v8  }
0x53: {  	[tilespmem:s19+$0xFFFFFFD0] =	vst v9;
	v8 =	vld.idx.msk [tilespmem:v6+s11+$0x0], $0xffff  }
0x54: {  	v9 =	vld.idx.msk [tilespmem:v7+s5+$0x0], $0xffff;
	[tilespmem:s19+$0xFFFFFFE0] =	vst v10  }
0x55: {  	v10 =	vld.idx.msk [tilespmem:v0+s11+$0x0], $0xffff;
	[tilespmem:s19+$0xFFFFFFF0] =	vst v11  }
0x56: {  	v11 =	vld.idx.msk [tilespmem:v1+s11+$0x0], $0xffff;
	[tilespmem:s19+$0x0] =	vst v12  }
0x57: {  	v12 =	vld.idx.msk [tilespmem:v2+s11+$0x0], $0xffff;
	[tilespmem:s19+$0x10] =	vst v13  }
0x58: {  	s20 =	sadd.s32 $0x80, s20;
	v13 =	vld.idx.msk [tilespmem:v4+s11+$0x0], $0xffff;
	[tilespmem:s19+$0x20] =	vst v14  }
0x59: {  	v14 =	vld.idx.msk [tilespmem:v3+s11+$0x0], $0xffff;
	[tilespmem:s20+$0x30] =	vst v8  }
0x5a: {  	[tilespmem:s19+$0xFFFFFFC0] =	vst v9;
	v6 =	vld.idx.msk [tilespmem:v6+s12+$0x0], $0xffff  }
0x5b: {  	v8 =	vld.idx.msk [tilespmem:v7+s11+$0x0], $0xffff;
	[tilespmem:s20+$0xFFFFFFD0] =	vst v10  }
0x5c: {  	[tilespmem:s20+$0xFFFFFFE0] =	vst v11;
	v9 =	vld.idx.msk [tilespmem:v5+s11+$0x0], $0xffff  }
0x5d: {  	v10 =	vld.idx.msk [tilespmem:v0+s12+$0x0], $0xffff;
	[tilespmem:s20+$0xFFFFFFF0] =	vst v12  }
0x5e: {  	v0 =	vld.idx.msk [tilespmem:v1+s12+$0x0], $0xffff;
	[tilespmem:s20+$0x0] =	vst v13  }
.Ltmp0:
0x5f: {  	s21 =	sadd.s32 $0x80, s21;
	v1 =	vld.idx.msk [tilespmem:v2+s12+$0x0], $0xffff;
	[tilespmem:s20+$0x10] =	vst v14;
	(pc) =	sbr.rel @p0 .LBB2_2-.Ltmp0, $4  }
0x60: {  	v2 =	vld.idx.msk [tilespmem:v4+s12+$0x0], $0xffff;
	[tilespmem:s21+$0x30] =	vst v6  }
0x61: {  	[tilespmem:s20+$0xFFFFFFC0] =	vst v8;
	v4 =	vld.idx.msk [tilespmem:v3+s12+$0x0], $0xffff  }
0x62: {  	v3 =	vld.idx.msk [tilespmem:v7+s12+$0x0], $0xffff;
	[tilespmem:s20+$0x20] =	vst v9  }
0x63: {  	s23 =	sadd.s32 $0x80, s23;
	[tilespmem:s21+$0xFFFFFFD0] =	vst v10;
	v5 =	vld.idx.msk [tilespmem:v5+s12+$0x0], $0xffff  }
0x64: {  	[tilespmem:s21+$0xFFFFFFE0] =	vst v0  }
0x65: {  	[tilespmem:s21+$0xFFFFFFF0] =	vst v1  }
0x66: {  	[tilespmem:s21+$0x0] =	vst v2  }
0x67: {  	[tilespmem:s21+$0x10] =	vst v4  }
0x68: {  	[tilespmem:s21+$0xFFFFFFC0] =	vst v3  }
0x69: {  	[tilespmem:s21+$0x20] =	vst v5  }
0x6a: {  	[hbm4b:s7+s5] =	stream.linear.scatter [tilespmem:s15], [sflag:$0x1], $0x200, $0x38;
	[tilespmem:$0x1400] =	vst v63  }
0x6b: {  	_ = 	snop  }
0x6c: {  	[hbm4b:s8+s5] =	stream.linear.scatter [tilespmem:s16], [sflag:$0x1], $0x200, $0x38;
	[tilespmem:$0x1400] =	vst v63  }
0x6d: {  	_ = 	snop  }
0x6e: {  	[hbm4b:s9+s5] =	stream.linear.scatter [tilespmem:s17], [sflag:$0x1], $0x200, $0x38;
	[tilespmem:$0x1400] =	vst v63  }
0x6f: {  	_ =	swait.ge [sflag:s14], $0x200  }
0x70: {  	[sflag:s14] =	ssyncset.done $0x0  }
0x71: {  	s18 =	sadd.s32 $0x1, s18;
	[sflag:s14] =	ssyncadd.s32 $0xFFFFFE00  }
0x72: {  	p0 =	sne.s32 s18, s10;
	_ =	swait.ge [sflag:s14], $0x200  }
.Ltmp1:
0x73: {  	[sflag:s14] =	ssyncset.done $0x0;
	(pc) =	sbr.rel @p0 .LBB2_1-.Ltmp1, $4  }
0x74: {  	[sflag:s14] =	ssyncadd.s32 $0xFFFFFE00  }
0x75: {  	_ =	swait.ge [sflag:s14], $0x200  }
0x76: {  	[sflag:s14] =	ssyncset.done $0x0  }
0x77: {  	[sflag:s14] =	ssyncadd.s32 $0xFFFFFE00  }
0x78: {  	_ =	sfence.sel $0x180000  }
0x79: {  	[bflag:$0x0] =	sbarrier.arrive $0xFFFF  }
0x7a: {  	p0 =	sne.s32 s4, $0x0;
	_ =	strace $0x90000047  }
0x7b: {  	s0 =	sadd.s32 @!p0 $0x100000, s1;
	[bflag:$0x2] =	sbarrier.arrive $0xFFFF  }
0x7c: {  	[sflag:s0] =	ssyncadd.tile.s32 @!p0 $0x1;
	_ =	shalt  }
.Lfunc_end2:
_tile_overlayer_lowered:
.L_overlay_start_2:
0x7d: {  	(tag) =	ssettag $0x2  }
0x7e: {  	s0 =	rddreg [dreg:$0x0];
	s2 =	stileid.u32  }
0x7f: {  	s1 =	rddreg [dreg:$0x1];
	p0 =	sne.s32 s2, $0x0  }
0x80: {  	s3 =	rddreg [dreg:$0x2];
	[bflag:$0x3] =	sbarrier.arrive $0xFFFF;
	s2 =	simm.s32 @!p0 $0x1C02  }
0x81: {  	[timem:s3], [sflag:s2] =	dma.local @!p0 [hbm:s0], s1  }
0x82: {  	s0 =	simm.s32 @!p0 $0x2  }
0x83: {  	_ =	swait.ge @!p0 [sflag:s0], s1  }
0x84: {  	s1 =	ssub.s32 @!p0 $0x0, s1;
	[sflag:s0] =	ssyncset.done @!p0 $0x0  }
0x85: {  	[sflag:s0] =	ssyncadd.s32 @!p0 s1  }
0x86: {  	[bflag:$0x3] =	sbarrier.arrive $0xFFFF  }
0x87: {  	_ =	shalt  }

</sc_bundles>
